<compile_context>
chip_gen: v7x
topology: tpu7x:2x2x1
jax: 0.10.2.dev20260603
libtpu: 0.0.44.dev20260713+nightly
codegen_flags: <defaults>
</compile_context>

<pallas_src>
import jax
import jax.numpy as jnp
from jax import lax
from jax.experimental import pallas as pl
from jax.experimental.pallas import tpu as pltpu
from jax.experimental.pallas import tpu_sc as plsc

_B, _S, _H = 4, 8192, 32
_NW = 32
_CHUNK = _S // _NW
_NSUB = 4
_SUB = _CHUNK // _NSUB


def _copy_body(x_hbm, o_hbm, buf, *sems):
    w = lax.axis_index("s") * 2 + lax.axis_index("c")
    base = w * _CHUNK

    def in_copy(j):
        return pltpu.make_async_copy(
            x_hbm.at[:, pl.ds(base + j * _SUB, _SUB)],
            buf.at[:, pl.ds(j * _SUB, _SUB)],
            sems[j],
        )

    def out_copy(j):
        return pltpu.make_async_copy(
            buf.at[:, pl.ds(j * _SUB, _SUB)],
            o_hbm.at[:, pl.ds(base + j * _SUB, _SUB)],
            sems[_NSUB + j],
        )

    for j in range(_NSUB):
        in_copy(j).start()
    for j in range(_NSUB):
        in_copy(j).wait()
        out_copy(j).start()
    for j in range(_NSUB):
        out_copy(j).wait()


def kernel(inputs_embeds):
    mesh = plsc.VectorSubcoreMesh(core_axis_name="c", subcore_axis_name="s")
    k = pl.kernel(
        _copy_body,
        out_type=jax.ShapeDtypeStruct((_B, _S, _H), jnp.float32),
        mesh=mesh,
        scratch_types=(
            [pltpu.VMEM((_B, _CHUNK, _H), jnp.float32)]
            + [pltpu.SemaphoreType.DMA] * (2 * _NSUB)
        ),
    )
    return k(inputs_embeds)

# --- scband reference (transcript-rebuilt; emitter-appended) ---
"""Pipeline reference for scband-stub-lm-6562710028660 (READ-ONLY COPY).

The authoritative reference and input builder live on the scoring server;
editing this copy changes nothing except your own understanding.
"""

import jax, jax.numpy as jnp
import numpy as np

HIDDEN = 32
TEXT_VOCAB = 64


def setup_inputs(seed: int = 0) -> dict:
    key = jax.random.key(seed)
    k1, = jax.random.split(key, 1)
    inputs_embeds = jax.random.normal(k1, (4, 8192, HIDDEN), dtype=jnp.float32)
    return {"inputs_embeds": inputs_embeds}


def reference(inputs_embeds):
    # Faithful translation of _StubLM.forward: identity trunk.
    # last_hidden_state == inputs_embeds; past_key_values is None and carried
    # through untouched, so the only tensor output is inputs_embeds itself.
    last_hidden_state = inputs_embeds
    return last_hidden_state

if __name__ == "__main__":
    import jax
    _d = setup_inputs()
    print(jax.jit(kernel)(*tuple(_d.values())))

</pallas_src>

<mosaic_0001>
#map = affine_map<(d0, d1) -> (0, 0, 0)>
module attributes {stable_mosaic.version = 14 : i64} {
  func.func @_copy_body(%arg0: i32, %arg1: i32, %arg2: memref<4x8192x32xf32, #tpu.memory_space<hbm>>, %arg3: memref<4x8192x32xf32, #tpu.memory_space<hbm>>, %arg4: memref<4x256x32xf32, #tpu.memory_space<vmem>>, %arg5: memref<!tpu.dma_semaphore, #tpu.memory_space<semaphore_mem>>, %arg6: memref<!tpu.dma_semaphore, #tpu.memory_space<semaphore_mem>>, %arg7: memref<!tpu.dma_semaphore, #tpu.memory_space<semaphore_mem>>, %arg8: memref<!tpu.dma_semaphore, #tpu.memory_space<semaphore_mem>>, %arg9: memref<!tpu.dma_semaphore, #tpu.memory_space<semaphore_mem>>, %arg10: memref<!tpu.dma_semaphore, #tpu.memory_space<semaphore_mem>>, %arg11: memref<!tpu.dma_semaphore, #tpu.memory_space<semaphore_mem>>, %arg12: memref<!tpu.dma_semaphore, #tpu.memory_space<semaphore_mem>>) attributes {dimension_semantics = [#tpu.dimension_semantics<core_parallel>, #tpu.dimension_semantics<subcore_parallel>], iteration_bounds = array<i64: 2, 16>, scalar_prefetch = 0 : i64, scratch_operands = 9 : i64, tpu.core_type = #tpu.core_type<sc_vector_subcore>, window_params = [{transform_indices = #map}, {transform_indices = #map}]} {
    %mul3A = arith.constant 2 : i32
    %mul3A_0 = arith.muli %arg1, %mul3A : i32
    %add3A = arith.addi %mul3A_0, %arg0 : i32
    %mul3A_1 = arith.constant 256 : i32
    %mul3A_2 = arith.muli %add3A, %mul3A_1 : i32
    %add3A_3 = arith.constant 0 : i32
    %add3A_4 = arith.addi %mul3A_2, %add3A_3 : i32
    %dma_start3A = arith.constant 0 : i32
    %dma_start3A_5 = arith.constant 0 : i32
    %dma_start3A_6 = arith.constant 0 : i32
    %dma_start3A_7 = tpu.memref_slice %arg4[%dma_start3A, %dma_start3A_5, %dma_start3A_6] : memref<4x256x32xf32, #tpu.memory_space<vmem>> -> memref<4x64x32xf32, #tpu.memory_space<vmem>>
    %dma_start3A_8 = arith.constant 0 : i32
    %dma_start3A_9 = arith.constant 0 : i32
    %dma_start3A_10 = tpu.memref_slice %arg2[%dma_start3A_8, %add3A_4, %dma_start3A_9] : memref<4x8192x32xf32, #tpu.memory_space<hbm>> -> memref<4x64x32xf32, #tpu.memory_space<hbm>>
    %dma_start3A_11 = arith.constant 0 : i32
    %dma_start3A_12 = arith.constant 0 : i32
    %dma_start3A_13 = arith.constant 0 : i32
    %dma_start3A_14 = tpu.memref_slice %arg4[%dma_start3A_11, %dma_start3A_12, %dma_start3A_13] : memref<4x256x32xf32, #tpu.memory_space<vmem>> -> memref<4x64x32xf32, #tpu.memory_space<vmem>>
    %dma_start3A_15 = arith.constant 0 : i32
    %dma_start3A_16 = arith.constant 0 : i32
    %dma_start3A_17 = tpu.memref_slice %arg2[%dma_start3A_15, %add3A_4, %dma_start3A_16] : memref<4x8192x32xf32, #tpu.memory_space<hbm>> -> memref<4x64x32xf32, #tpu.memory_space<hbm>>
    tpu.enqueue_dma source(%dma_start3A_17 : memref<4x64x32xf32, #tpu.memory_space<hbm>>) target(%dma_start3A_14 : memref<4x64x32xf32, #tpu.memory_space<vmem>>) target_semaphore(%arg5 : memref<!tpu.dma_semaphore, #tpu.memory_space<semaphore_mem>>)
    %add3A_18 = arith.constant 64 : i32
    %add3A_19 = arith.addi %mul3A_2, %add3A_18 : i32
    %dma_start3A_20 = arith.constant 0 : i32
    %dma_start3A_21 = arith.constant 64 : i32
    %dma_start3A_22 = arith.constant 0 : i32
    %dma_start3A_23 = tpu.memref_slice %arg4[%dma_start3A_20, %dma_start3A_21, %dma_start3A_22] : memref<4x256x32xf32, #tpu.memory_space<vmem>> -> memref<4x64x32xf32, #tpu.memory_space<vmem>>
    %dma_start3A_24 = arith.constant 0 : i32
    %dma_start3A_25 = arith.constant 0 : i32
    %dma_start3A_26 = tpu.memref_slice %arg2[%dma_start3A_24, %add3A_19, %dma_start3A_25] : memref<4x8192x32xf32, #tpu.memory_space<hbm>> -> memref<4x64x32xf32, #tpu.memory_space<hbm>>
    %dma_start3A_27 = arith.constant 0 : i32
    %dma_start3A_28 = arith.constant 64 : i32
    %dma_start3A_29 = arith.constant 0 : i32
    %dma_start3A_30 = tpu.memref_slice %arg4[%dma_start3A_27, %dma_start3A_28, %dma_start3A_29] : memref<4x256x32xf32, #tpu.memory_space<vmem>> -> memref<4x64x32xf32, #tpu.memory_space<vmem>>
    %dma_start3A_31 = arith.constant 0 : i32
    %dma_start3A_32 = arith.constant 0 : i32
    %dma_start3A_33 = tpu.memref_slice %arg2[%dma_start3A_31, %add3A_19, %dma_start3A_32] : memref<4x8192x32xf32, #tpu.memory_space<hbm>> -> memref<4x64x32xf32, #tpu.memory_space<hbm>>
    tpu.enqueue_dma source(%dma_start3A_33 : memref<4x64x32xf32, #tpu.memory_space<hbm>>) target(%dma_start3A_30 : memref<4x64x32xf32, #tpu.memory_space<vmem>>) target_semaphore(%arg6 : memref<!tpu.dma_semaphore, #tpu.memory_space<semaphore_mem>>)
    %add3A_34 = arith.constant 128 : i32
    %add3A_35 = arith.addi %mul3A_2, %add3A_34 : i32
    %dma_start3A_36 = arith.constant 0 : i32
    %dma_start3A_37 = arith.constant 128 : i32
    %dma_start3A_38 = arith.constant 0 : i32
    %dma_start3A_39 = tpu.memref_slice %arg4[%dma_start3A_36, %dma_start3A_37, %dma_start3A_38] : memref<4x256x32xf32, #tpu.memory_space<vmem>> -> memref<4x64x32xf32, #tpu.memory_space<vmem>>
    %dma_start3A_40 = arith.constant 0 : i32
    %dma_start3A_41 = arith.constant 0 : i32
    %dma_start3A_42 = tpu.memref_slice %arg2[%dma_start3A_40, %add3A_35, %dma_start3A_41] : memref<4x8192x32xf32, #tpu.memory_space<hbm>> -> memref<4x64x32xf32, #tpu.memory_space<hbm>>
    %dma_start3A_43 = arith.constant 0 : i32
    %dma_start3A_44 = arith.constant 128 : i32
    %dma_start3A_45 = arith.constant 0 : i32
    %dma_start3A_46 = tpu.memref_slice %arg4[%dma_start3A_43, %dma_start3A_44, %dma_start3A_45] : memref<4x256x32xf32, #tpu.memory_space<vmem>> -> memref<4x64x32xf32, #tpu.memory_space<vmem>>
    %dma_start3A_47 = arith.constant 0 : i32
    %dma_start3A_48 = arith.constant 0 : i32
    %dma_start3A_49 = tpu.memref_slice %arg2[%dma_start3A_47, %add3A_35, %dma_start3A_48] : memref<4x8192x32xf32, #tpu.memory_space<hbm>> -> memref<4x64x32xf32, #tpu.memory_space<hbm>>
    tpu.enqueue_dma source(%dma_start3A_49 : memref<4x64x32xf32, #tpu.memory_space<hbm>>) target(%dma_start3A_46 : memref<4x64x32xf32, #tpu.memory_space<vmem>>) target_semaphore(%arg7 : memref<!tpu.dma_semaphore, #tpu.memory_space<semaphore_mem>>)
    %add3A_50 = arith.constant 192 : i32
    %add3A_51 = arith.addi %mul3A_2, %add3A_50 : i32
    %dma_start3A_52 = arith.constant 0 : i32
    %dma_start3A_53 = arith.constant 192 : i32
    %dma_start3A_54 = arith.constant 0 : i32
    %dma_start3A_55 = tpu.memref_slice %arg4[%dma_start3A_52, %dma_start3A_53, %dma_start3A_54] : memref<4x256x32xf32, #tpu.memory_space<vmem>> -> memref<4x64x32xf32, #tpu.memory_space<vmem>>
    %dma_start3A_56 = arith.constant 0 : i32
    %dma_start3A_57 = arith.constant 0 : i32
    %dma_start3A_58 = tpu.memref_slice %arg2[%dma_start3A_56, %add3A_51, %dma_start3A_57] : memref<4x8192x32xf32, #tpu.memory_space<hbm>> -> memref<4x64x32xf32, #tpu.memory_space<hbm>>
    %dma_start3A_59 = arith.constant 0 : i32
    %dma_start3A_60 = arith.constant 192 : i32
    %dma_start3A_61 = arith.constant 0 : i32
    %dma_start3A_62 = tpu.memref_slice %arg4[%dma_start3A_59, %dma_start3A_60, %dma_start3A_61] : memref<4x256x32xf32, #tpu.memory_space<vmem>> -> memref<4x64x32xf32, #tpu.memory_space<vmem>>
    %dma_start3A_63 = arith.constant 0 : i32
    %dma_start3A_64 = arith.constant 0 : i32
    %dma_start3A_65 = tpu.memref_slice %arg2[%dma_start3A_63, %add3A_51, %dma_start3A_64] : memref<4x8192x32xf32, #tpu.memory_space<hbm>> -> memref<4x64x32xf32, #tpu.memory_space<hbm>>
    tpu.enqueue_dma source(%dma_start3A_65 : memref<4x64x32xf32, #tpu.memory_space<hbm>>) target(%dma_start3A_62 : memref<4x64x32xf32, #tpu.memory_space<vmem>>) target_semaphore(%arg8 : memref<!tpu.dma_semaphore, #tpu.memory_space<semaphore_mem>>)
    %add3A_66 = arith.constant 0 : i32
    %add3A_67 = arith.addi %mul3A_2, %add3A_66 : i32
    %dma_wait3A = arith.constant 0 : i32
    %dma_wait3A_68 = arith.constant 0 : i32
    %dma_wait3A_69 = arith.constant 0 : i32
    %dma_wait3A_70 = tpu.memref_slice %arg4[%dma_wait3A, %dma_wait3A_68, %dma_wait3A_69] : memref<4x256x32xf32, #tpu.memory_space<vmem>> -> memref<4x64x32xf32, #tpu.memory_space<vmem>>
    %dma_wait3A_71 = arith.constant 0 : i32
    %dma_wait3A_72 = arith.constant 0 : i32
    %dma_wait3A_73 = tpu.memref_slice %arg2[%dma_wait3A_71, %add3A_67, %dma_wait3A_72] : memref<4x8192x32xf32, #tpu.memory_space<hbm>> -> memref<4x64x32xf32, #tpu.memory_space<hbm>>
    %dma_wait3A_74 = arith.constant 0 : i32
    %dma_wait3A_75 = arith.constant 0 : i32
    %dma_wait3A_76 = arith.constant 0 : i32
    %dma_wait3A_77 = tpu.memref_slice %arg4[%dma_wait3A_74, %dma_wait3A_75, %dma_wait3A_76] : memref<4x256x32xf32, #tpu.memory_space<vmem>> -> memref<4x64x32xf32, #tpu.memory_space<vmem>>
    %dma_wait3A_78 = arith.constant 0 : i32
    %dma_wait3A_79 = arith.constant 0 : i32
    %dma_wait3A_80 = tpu.memref_slice %arg2[%dma_wait3A_78, %add3A_67, %dma_wait3A_79] : memref<4x8192x32xf32, #tpu.memory_space<hbm>> -> memref<4x64x32xf32, #tpu.memory_space<hbm>>
    tpu.wait_dma2 semaphore(%arg5 : memref<!tpu.dma_semaphore, #tpu.memory_space<semaphore_mem>>) src(%dma_wait3A_80 : memref<4x64x32xf32, #tpu.memory_space<hbm>>) dst(%dma_wait3A_77 : memref<4x64x32xf32, #tpu.memory_space<vmem>>)
    %add3A_81 = arith.constant 0 : i32
    %add3A_82 = arith.addi %mul3A_2, %add3A_81 : i32
    %dma_start3A_83 = arith.constant 0 : i32
    %dma_start3A_84 = arith.constant 0 : i32
    %dma_start3A_85 = arith.constant 0 : i32
    %dma_start3A_86 = tpu.memref_slice %arg4[%dma_start3A_83, %dma_start3A_84, %dma_start3A_85] : memref<4x256x32xf32, #tpu.memory_space<vmem>> -> memref<4x64x32xf32, #tpu.memory_space<vmem>>
    %dma_start3A_87 = arith.constant 0 : i32
    %dma_start3A_88 = arith.constant 0 : i32
    %dma_start3A_89 = tpu.memref_slice %arg3[%dma_start3A_87, %add3A_82, %dma_start3A_88] : memref<4x8192x32xf32, #tpu.memory_space<hbm>> -> memref<4x64x32xf32, #tpu.memory_space<hbm>>
    %dma_start3A_90 = arith.constant 0 : i32
    %dma_start3A_91 = arith.constant 0 : i32
    %dma_start3A_92 = tpu.memref_slice %arg3[%dma_start3A_90, %add3A_82, %dma_start3A_91] : memref<4x8192x32xf32, #tpu.memory_space<hbm>> -> memref<4x64x32xf32, #tpu.memory_space<hbm>>
    %dma_start3A_93 = arith.constant 0 : i32
    %dma_start3A_94 = arith.constant 0 : i32
    %dma_start3A_95 = arith.constant 0 : i32
    %dma_start3A_96 = tpu.memref_slice %arg4[%dma_start3A_93, %dma_start3A_94, %dma_start3A_95] : memref<4x256x32xf32, #tpu.memory_space<vmem>> -> memref<4x64x32xf32, #tpu.memory_space<vmem>>
    tpu.enqueue_dma source(%dma_start3A_96 : memref<4x64x32xf32, #tpu.memory_space<vmem>>) target(%dma_start3A_92 : memref<4x64x32xf32, #tpu.memory_space<hbm>>) target_semaphore(%arg9 : memref<!tpu.dma_semaphore, #tpu.memory_space<semaphore_mem>>)
    %add3A_97 = arith.constant 64 : i32
    %add3A_98 = arith.addi %mul3A_2, %add3A_97 : i32
    %dma_wait3A_99 = arith.constant 0 : i32
    %dma_wait3A_100 = arith.constant 64 : i32
    %dma_wait3A_101 = arith.constant 0 : i32
    %dma_wait3A_102 = tpu.memref_slice %arg4[%dma_wait3A_99, %dma_wait3A_100, %dma_wait3A_101] : memref<4x256x32xf32, #tpu.memory_space<vmem>> -> memref<4x64x32xf32, #tpu.memory_space<vmem>>
    %dma_wait3A_103 = arith.constant 0 : i32
    %dma_wait3A_104 = arith.constant 0 : i32
    %dma_wait3A_105 = tpu.memref_slice %arg2[%dma_wait3A_103, %add3A_98, %dma_wait3A_104] : memref<4x8192x32xf32, #tpu.memory_space<hbm>> -> memref<4x64x32xf32, #tpu.memory_space<hbm>>
    %dma_wait3A_106 = arith.constant 0 : i32
    %dma_wait3A_107 = arith.constant 64 : i32
    %dma_wait3A_108 = arith.constant 0 : i32
    %dma_wait3A_109 = tpu.memref_slice %arg4[%dma_wait3A_106, %dma_wait3A_107, %dma_wait3A_108] : memref<4x256x32xf32, #tpu.memory_space<vmem>> -> memref<4x64x32xf32, #tpu.memory_space<vmem>>
    %dma_wait3A_110 = arith.constant 0 : i32
    %dma_wait3A_111 = arith.constant 0 : i32
    %dma_wait3A_112 = tpu.memref_slice %arg2[%dma_wait3A_110, %add3A_98, %dma_wait3A_111] : memref<4x8192x32xf32, #tpu.memory_space<hbm>> -> memref<4x64x32xf32, #tpu.memory_space<hbm>>
    tpu.wait_dma2 semaphore(%arg6 : memref<!tpu.dma_semaphore, #tpu.memory_space<semaphore_mem>>) src(%dma_wait3A_112 : memref<4x64x32xf32, #tpu.memory_space<hbm>>) dst(%dma_wait3A_109 : memref<4x64x32xf32, #tpu.memory_space<vmem>>)
    %add3A_113 = arith.constant 64 : i32
    %add3A_114 = arith.addi %mul3A_2, %add3A_113 : i32
    %dma_start3A_115 = arith.constant 0 : i32
    %dma_start3A_116 = arith.constant 64 : i32
    %dma_start3A_117 = arith.constant 0 : i32
    %dma_start3A_118 = tpu.memref_slice %arg4[%dma_start3A_115, %dma_start3A_116, %dma_start3A_117] : memref<4x256x32xf32, #tpu.memory_space<vmem>> -> memref<4x64x32xf32, #tpu.memory_space<vmem>>
    %dma_start3A_119 = arith.constant 0 : i32
    %dma_start3A_120 = arith.constant 0 : i32
    %dma_start3A_121 = tpu.memref_slice %arg3[%dma_start3A_119, %add3A_114, %dma_start3A_120] : memref<4x8192x32xf32, #tpu.memory_space<hbm>> -> memref<4x64x32xf32, #tpu.memory_space<hbm>>
    %dma_start3A_122 = arith.constant 0 : i32
    %dma_start3A_123 = arith.constant 0 : i32
    %dma_start3A_124 = tpu.memref_slice %arg3[%dma_start3A_122, %add3A_114, %dma_start3A_123] : memref<4x8192x32xf32, #tpu.memory_space<hbm>> -> memref<4x64x32xf32, #tpu.memory_space<hbm>>
    %dma_start3A_125 = arith.constant 0 : i32
    %dma_start3A_126 = arith.constant 64 : i32
    %dma_start3A_127 = arith.constant 0 : i32
    %dma_start3A_128 = tpu.memref_slice %arg4[%dma_start3A_125, %dma_start3A_126, %dma_start3A_127] : memref<4x256x32xf32, #tpu.memory_space<vmem>> -> memref<4x64x32xf32, #tpu.memory_space<vmem>>
    tpu.enqueue_dma source(%dma_start3A_128 : memref<4x64x32xf32, #tpu.memory_space<vmem>>) target(%dma_start3A_124 : memref<4x64x32xf32, #tpu.memory_space<hbm>>) target_semaphore(%arg10 : memref<!tpu.dma_semaphore, #tpu.memory_space<semaphore_mem>>)
    %add3A_129 = arith.constant 128 : i32
    %add3A_130 = arith.addi %mul3A_2, %add3A_129 : i32
    %dma_wait3A_131 = arith.constant 0 : i32
    %dma_wait3A_132 = arith.constant 128 : i32
    %dma_wait3A_133 = arith.constant 0 : i32
    %dma_wait3A_134 = tpu.memref_slice %arg4[%dma_wait3A_131, %dma_wait3A_132, %dma_wait3A_133] : memref<4x256x32xf32, #tpu.memory_space<vmem>> -> memref<4x64x32xf32, #tpu.memory_space<vmem>>
    %dma_wait3A_135 = arith.constant 0 : i32
    %dma_wait3A_136 = arith.constant 0 : i32
    %dma_wait3A_137 = tpu.memref_slice %arg2[%dma_wait3A_135, %add3A_130, %dma_wait3A_136] : memref<4x8192x32xf32, #tpu.memory_space<hbm>> -> memref<4x64x32xf32, #tpu.memory_space<hbm>>
    %dma_wait3A_138 = arith.constant 0 : i32
    %dma_wait3A_139 = arith.constant 128 : i32
    %dma_wait3A_140 = arith.constant 0 : i32
    %dma_wait3A_141 = tpu.memref_slice %arg4[%dma_wait3A_138, %dma_wait3A_139, %dma_wait3A_140] : memref<4x256x32xf32, #tpu.memory_space<vmem>> -> memref<4x64x32xf32, #tpu.memory_space<vmem>>
    %dma_wait3A_142 = arith.constant 0 : i32
    %dma_wait3A_143 = arith.constant 0 : i32
    %dma_wait3A_144 = tpu.memref_slice %arg2[%dma_wait3A_142, %add3A_130, %dma_wait3A_143] : memref<4x8192x32xf32, #tpu.memory_space<hbm>> -> memref<4x64x32xf32, #tpu.memory_space<hbm>>
    tpu.wait_dma2 semaphore(%arg7 : memref<!tpu.dma_semaphore, #tpu.memory_space<semaphore_mem>>) src(%dma_wait3A_144 : memref<4x64x32xf32, #tpu.memory_space<hbm>>) dst(%dma_wait3A_141 : memref<4x64x32xf32, #tpu.memory_space<vmem>>)
    %add3A_145 = arith.constant 128 : i32
    %add3A_146 = arith.addi %mul3A_2, %add3A_145 : i32
    %dma_start3A_147 = arith.constant 0 : i32
    %dma_start3A_148 = arith.constant 128 : i32
    %dma_start3A_149 = arith.constant 0 : i32
    %dma_start3A_150 = tpu.memref_slice %arg4[%dma_start3A_147, %dma_start3A_148, %dma_start3A_149] : memref<4x256x32xf32, #tpu.memory_space<vmem>> -> memref<4x64x32xf32, #tpu.memory_space<vmem>>
    %dma_start3A_151 = arith.constant 0 : i32
    %dma_start3A_152 = arith.constant 0 : i32
    %dma_start3A_153 = tpu.memref_slice %arg3[%dma_start3A_151, %add3A_146, %dma_start3A_152] : memref<4x8192x32xf32, #tpu.memory_space<hbm>> -> memref<4x64x32xf32, #tpu.memory_space<hbm>>
    %dma_start3A_154 = arith.constant 0 : i32
    %dma_start3A_155 = arith.constant 0 : i32
    %dma_start3A_156 = tpu.memref_slice %arg3[%dma_start3A_154, %add3A_146, %dma_start3A_155] : memref<4x8192x32xf32, #tpu.memory_space<hbm>> -> memref<4x64x32xf32, #tpu.memory_space<hbm>>
    %dma_start3A_157 = arith.constant 0 : i32
    %dma_start3A_158 = arith.constant 128 : i32
    %dma_start3A_159 = arith.constant 0 : i32
    %dma_start3A_160 = tpu.memref_slice %arg4[%dma_start3A_157, %dma_start3A_158, %dma_start3A_159] : memref<4x256x32xf32, #tpu.memory_space<vmem>> -> memref<4x64x32xf32, #tpu.memory_space<vmem>>
    tpu.enqueue_dma source(%dma_start3A_160 : memref<4x64x32xf32, #tpu.memory_space<vmem>>) target(%dma_start3A_156 : memref<4x64x32xf32, #tpu.memory_space<hbm>>) target_semaphore(%arg11 : memref<!tpu.dma_semaphore, #tpu.memory_space<semaphore_mem>>)
    %add3A_161 = arith.constant 192 : i32
    %add3A_162 = arith.addi %mul3A_2, %add3A_161 : i32
    %dma_wait3A_163 = arith.constant 0 : i32
    %dma_wait3A_164 = arith.constant 192 : i32
    %dma_wait3A_165 = arith.constant 0 : i32
    %dma_wait3A_166 = tpu.memref_slice %arg4[%dma_wait3A_163, %dma_wait3A_164, %dma_wait3A_165] : memref<4x256x32xf32, #tpu.memory_space<vmem>> -> memref<4x64x32xf32, #tpu.memory_space<vmem>>
    %dma_wait3A_167 = arith.constant 0 : i32
    %dma_wait3A_168 = arith.constant 0 : i32
    %dma_wait3A_169 = tpu.memref_slice %arg2[%dma_wait3A_167, %add3A_162, %dma_wait3A_168] : memref<4x8192x32xf32, #tpu.memory_space<hbm>> -> memref<4x64x32xf32, #tpu.memory_space<hbm>>
    %dma_wait3A_170 = arith.constant 0 : i32
    %dma_wait3A_171 = arith.constant 192 : i32
    %dma_wait3A_172 = arith.constant 0 : i32
    %dma_wait3A_173 = tpu.memref_slice %arg4[%dma_wait3A_170, %dma_wait3A_171, %dma_wait3A_172] : memref<4x256x32xf32, #tpu.memory_space<vmem>> -> memref<4x64x32xf32, #tpu.memory_space<vmem>>
    %dma_wait3A_174 = arith.constant 0 : i32
    %dma_wait3A_175 = arith.constant 0 : i32
    %dma_wait3A_176 = tpu.memref_slice %arg2[%dma_wait3A_174, %add3A_162, %dma_wait3A_175] : memref<4x8192x32xf32, #tpu.memory_space<hbm>> -> memref<4x64x32xf32, #tpu.memory_space<hbm>>
    tpu.wait_dma2 semaphore(%arg8 : memref<!tpu.dma_semaphore, #tpu.memory_space<semaphore_mem>>) src(%dma_wait3A_176 : memref<4x64x32xf32, #tpu.memory_space<hbm>>) dst(%dma_wait3A_173 : memref<4x64x32xf32, #tpu.memory_space<vmem>>)
    %add3A_177 = arith.constant 192 : i32
    %add3A_178 = arith.addi %mul3A_2, %add3A_177 : i32
    %dma_start3A_179 = arith.constant 0 : i32
    %dma_start3A_180 = arith.constant 192 : i32
    %dma_start3A_181 = arith.constant 0 : i32
    %dma_start3A_182 = tpu.memref_slice %arg4[%dma_start3A_179, %dma_start3A_180, %dma_start3A_181] : memref<4x256x32xf32, #tpu.memory_space<vmem>> -> memref<4x64x32xf32, #tpu.memory_space<vmem>>
    %dma_start3A_183 = arith.constant 0 : i32
    %dma_start3A_184 = arith.constant 0 : i32
    %dma_start3A_185 = tpu.memref_slice %arg3[%dma_start3A_183, %add3A_178, %dma_start3A_184] : memref<4x8192x32xf32, #tpu.memory_space<hbm>> -> memref<4x64x32xf32, #tpu.memory_space<hbm>>
    %dma_start3A_186 = arith.constant 0 : i32
    %dma_start3A_187 = arith.constant 0 : i32
    %dma_start3A_188 = tpu.memref_slice %arg3[%dma_start3A_186, %add3A_178, %dma_start3A_187] : memref<4x8192x32xf32, #tpu.memory_space<hbm>> -> memref<4x64x32xf32, #tpu.memory_space<hbm>>
    %dma_start3A_189 = arith.constant 0 : i32
    %dma_start3A_190 = arith.constant 192 : i32
    %dma_start3A_191 = arith.constant 0 : i32
    %dma_start3A_192 = tpu.memref_slice %arg4[%dma_start3A_189, %dma_start3A_190, %dma_start3A_191] : memref<4x256x32xf32, #tpu.memory_space<vmem>> -> memref<4x64x32xf32, #tpu.memory_space<vmem>>
    tpu.enqueue_dma source(%dma_start3A_192 : memref<4x64x32xf32, #tpu.memory_space<vmem>>) target(%dma_start3A_188 : memref<4x64x32xf32, #tpu.memory_space<hbm>>) target_semaphore(%arg12 : memref<!tpu.dma_semaphore, #tpu.memory_space<semaphore_mem>>)
    %add3A_193 = arith.constant 0 : i32
    %add3A_194 = arith.addi %mul3A_2, %add3A_193 : i32
    %dma_wait3A_195 = arith.constant 0 : i32
    %dma_wait3A_196 = arith.constant 0 : i32
    %dma_wait3A_197 = arith.constant 0 : i32
    %dma_wait3A_198 = tpu.memref_slice %arg4[%dma_wait3A_195, %dma_wait3A_196, %dma_wait3A_197] : memref<4x256x32xf32, #tpu.memory_space<vmem>> -> memref<4x64x32xf32, #tpu.memory_space<vmem>>
    %dma_wait3A_199 = arith.constant 0 : i32
    %dma_wait3A_200 = arith.constant 0 : i32
    %dma_wait3A_201 = tpu.memref_slice %arg3[%dma_wait3A_199, %add3A_194, %dma_wait3A_200] : memref<4x8192x32xf32, #tpu.memory_space<hbm>> -> memref<4x64x32xf32, #tpu.memory_space<hbm>>
    %dma_wait3A_202 = arith.constant 0 : i32
    %dma_wait3A_203 = arith.constant 0 : i32
    %dma_wait3A_204 = tpu.memref_slice %arg3[%dma_wait3A_202, %add3A_194, %dma_wait3A_203] : memref<4x8192x32xf32, #tpu.memory_space<hbm>> -> memref<4x64x32xf32, #tpu.memory_space<hbm>>
    %dma_wait3A_205 = arith.constant 0 : i32
    %dma_wait3A_206 = arith.constant 0 : i32
    %dma_wait3A_207 = arith.constant 0 : i32
    %dma_wait3A_208 = tpu.memref_slice %arg4[%dma_wait3A_205, %dma_wait3A_206, %dma_wait3A_207] : memref<4x256x32xf32, #tpu.memory_space<vmem>> -> memref<4x64x32xf32, #tpu.memory_space<vmem>>
    tpu.wait_dma2 semaphore(%arg9 : memref<!tpu.dma_semaphore, #tpu.memory_space<semaphore_mem>>) src(%dma_wait3A_208 : memref<4x64x32xf32, #tpu.memory_space<vmem>>) dst(%dma_wait3A_204 : memref<4x64x32xf32, #tpu.memory_space<hbm>>)
    %add3A_209 = arith.constant 64 : i32
    %add3A_210 = arith.addi %mul3A_2, %add3A_209 : i32
    %dma_wait3A_211 = arith.constant 0 : i32
    %dma_wait3A_212 = arith.constant 64 : i32
    %dma_wait3A_213 = arith.constant 0 : i32
    %dma_wait3A_214 = tpu.memref_slice %arg4[%dma_wait3A_211, %dma_wait3A_212, %dma_wait3A_213] : memref<4x256x32xf32, #tpu.memory_space<vmem>> -> memref<4x64x32xf32, #tpu.memory_space<vmem>>
    %dma_wait3A_215 = arith.constant 0 : i32
    %dma_wait3A_216 = arith.constant 0 : i32
    %dma_wait3A_217 = tpu.memref_slice %arg3[%dma_wait3A_215, %add3A_210, %dma_wait3A_216] : memref<4x8192x32xf32, #tpu.memory_space<hbm>> -> memref<4x64x32xf32, #tpu.memory_space<hbm>>
    %dma_wait3A_218 = arith.constant 0 : i32
    %dma_wait3A_219 = arith.constant 0 : i32
    %dma_wait3A_220 = tpu.memref_slice %arg3[%dma_wait3A_218, %add3A_210, %dma_wait3A_219] : memref<4x8192x32xf32, #tpu.memory_space<hbm>> -> memref<4x64x32xf32, #tpu.memory_space<hbm>>
    %dma_wait3A_221 = arith.constant 0 : i32
    %dma_wait3A_222 = arith.constant 64 : i32
    %dma_wait3A_223 = arith.constant 0 : i32
    %dma_wait3A_224 = tpu.memref_slice %arg4[%dma_wait3A_221, %dma_wait3A_222, %dma_wait3A_223] : memref<4x256x32xf32, #tpu.memory_space<vmem>> -> memref<4x64x32xf32, #tpu.memory_space<vmem>>
    tpu.wait_dma2 semaphore(%arg10 : memref<!tpu.dma_semaphore, #tpu.memory_space<semaphore_mem>>) src(%dma_wait3A_224 : memref<4x64x32xf32, #tpu.memory_space<vmem>>) dst(%dma_wait3A_220 : memref<4x64x32xf32, #tpu.memory_space<hbm>>)
    %add3A_225 = arith.constant 128 : i32
    %add3A_226 = arith.addi %mul3A_2, %add3A_225 : i32
    %dma_wait3A_227 = arith.constant 0 : i32
    %dma_wait3A_228 = arith.constant 128 : i32
    %dma_wait3A_229 = arith.constant 0 : i32
    %dma_wait3A_230 = tpu.memref_slice %arg4[%dma_wait3A_227, %dma_wait3A_228, %dma_wait3A_229] : memref<4x256x32xf32, #tpu.memory_space<vmem>> -> memref<4x64x32xf32, #tpu.memory_space<vmem>>
    %dma_wait3A_231 = arith.constant 0 : i32
    %dma_wait3A_232 = arith.constant 0 : i32
    %dma_wait3A_233 = tpu.memref_slice %arg3[%dma_wait3A_231, %add3A_226, %dma_wait3A_232] : memref<4x8192x32xf32, #tpu.memory_space<hbm>> -> memref<4x64x32xf32, #tpu.memory_space<hbm>>
    %dma_wait3A_234 = arith.constant 0 : i32
    %dma_wait3A_235 = arith.constant 0 : i32
    %dma_wait3A_236 = tpu.memref_slice %arg3[%dma_wait3A_234, %add3A_226, %dma_wait3A_235] : memref<4x8192x32xf32, #tpu.memory_space<hbm>> -> memref<4x64x32xf32, #tpu.memory_space<hbm>>
    %dma_wait3A_237 = arith.constant 0 : i32
    %dma_wait3A_238 = arith.constant 128 : i32
    %dma_wait3A_239 = arith.constant 0 : i32
    %dma_wait3A_240 = tpu.memref_slice %arg4[%dma_wait3A_237, %dma_wait3A_238, %dma_wait3A_239] : memref<4x256x32xf32, #tpu.memory_space<vmem>> -> memref<4x64x32xf32, #tpu.memory_space<vmem>>
    tpu.wait_dma2 semaphore(%arg11 : memref<!tpu.dma_semaphore, #tpu.memory_space<semaphore_mem>>) src(%dma_wait3A_240 : memref<4x64x32xf32, #tpu.memory_space<vmem>>) dst(%dma_wait3A_236 : memref<4x64x32xf32, #tpu.memory_space<hbm>>)
    %add3A_241 = arith.constant 192 : i32
    %add3A_242 = arith.addi %mul3A_2, %add3A_241 : i32
    %dma_wait3A_243 = arith.constant 0 : i32
    %dma_wait3A_244 = arith.constant 192 : i32
    %dma_wait3A_245 = arith.constant 0 : i32
    %dma_wait3A_246 = tpu.memref_slice %arg4[%dma_wait3A_243, %dma_wait3A_244, %dma_wait3A_245] : memref<4x256x32xf32, #tpu.memory_space<vmem>> -> memref<4x64x32xf32, #tpu.memory_space<vmem>>
    %dma_wait3A_247 = arith.constant 0 : i32
    %dma_wait3A_248 = arith.constant 0 : i32
    %dma_wait3A_249 = tpu.memref_slice %arg3[%dma_wait3A_247, %add3A_242, %dma_wait3A_248] : memref<4x8192x32xf32, #tpu.memory_space<hbm>> -> memref<4x64x32xf32, #tpu.memory_space<hbm>>
    %dma_wait3A_250 = arith.constant 0 : i32
    %dma_wait3A_251 = arith.constant 0 : i32
    %dma_wait3A_252 = tpu.memref_slice %arg3[%dma_wait3A_250, %add3A_242, %dma_wait3A_251] : memref<4x8192x32xf32, #tpu.memory_space<hbm>> -> memref<4x64x32xf32, #tpu.memory_space<hbm>>
    %dma_wait3A_253 = arith.constant 0 : i32
    %dma_wait3A_254 = arith.constant 192 : i32
    %dma_wait3A_255 = arith.constant 0 : i32
    %dma_wait3A_256 = tpu.memref_slice %arg4[%dma_wait3A_253, %dma_wait3A_254, %dma_wait3A_255] : memref<4x256x32xf32, #tpu.memory_space<vmem>> -> memref<4x64x32xf32, #tpu.memory_space<vmem>>
    tpu.wait_dma2 semaphore(%arg12 : memref<!tpu.dma_semaphore, #tpu.memory_space<semaphore_mem>>) src(%dma_wait3A_256 : memref<4x64x32xf32, #tpu.memory_space<vmem>>) dst(%dma_wait3A_252 : memref<4x64x32xf32, #tpu.memory_space<hbm>>)
    return
  }
}

</mosaic_0001>

<sc_bundles>
// kernel: kernel.3.cloned.1.call-start
scs
__scs_entry_jumppad:
0x0: {  	(pc) =	sbr.rel $0x88, $3  }
0x1: {  	(tag) =	ssettag $0x0;
	lr =	simm.s32 $0x1  }
0x2: {  	[smem:$0x3FA0] =	sst lr;
	_ =	strace $0xD0000000  }
0x3: {  	_ = 	snop  }
0x4: {  	_ = 	snop  }
0x5: {  	_ = 	snop  }
0x6: {  	_ = 	snop  }
0x7: {  	_ = 	snop  }
__scs_overlays_trampoline_lowered:
0x8: {  	[smem:$0x3FAF] =	sst s0  }
0x9: {  	[smem:$0x3FB0] =	sst s1  }
0xa: {  	[smem:$0x3FB1] =	sst s2  }
0xb: {  	[smem:$0x3FB2] =	sst s3  }
0xc: {  	[smem:$0x3FB3] =	sst s4  }
0xd: {  	[smem:$0x3FB4] =	sst s5  }
0xe: {  	[smem:$0x3FB5] =	sst s6  }
0xf: {  	[smem:$0x3FB6] =	sst s7  }
0x10: {  	[smem:$0x3FB7] =	sst s8  }
0x11: {  	[smem:$0x3FB8] =	sst s9;
	s0 =	simm.s32 @!p0 $0x0  }
0x12: {  	s1 =	sld [smem:$0x3F9E];
	s0 =	simm.s32 @p0 $0x1  }
0x13: {  	[smem:$0x3FB9] =	sst s0;
	s0 =	simm.s32 @!p1 $0x0  }
0x14: {  	s2 =	sld [smem:$0x3F9D];
	s0 =	simm.s32 @p1 $0x1  }
0x15: {  	[smem:$0x3FBA] =	sst s0;
	s0 =	simm.s32 @!p2 $0x0  }
0x16: {  	s3 =	sld [smem:$0x3FDB];
	s0 =	simm.s32 @p2 $0x1  }
0x17: {  	s4 =	simm.s32 $0x1BF5;
	[smem:$0x3FBC] =	sst s0  }
0x18: {  	s0 =	sld [smem:$0x3F9F];
	_ =	swait.ge [sflag:s4], $0x0  }
0x19: {  	s7 =	sld [smem:$0x3FA0]  }
0x1a: {  	s8 =	sadd.s32 $0xFFFFE003, lr  }
0x1b: {  	s9 =	sadd.s32 $0xFFFFFEF7, lr;
	s5 =	simm.s32 $0xFFFFFFFF;
	p2 =	slt.u32 s8, $0xFFFFF086  }
0x1c: {  	p1 =	slt.u32 s9, $0xF7A;
	s5 =	simm.s32 @!p2 $0x0  }
0x1d: {  	s5 =	simm.s32 @p1 $0x1;
	p0 =	seq.s32 s7, s2  }
0x1e: {  	s7 =	smul.u32 @!p0 $0xF7A, s2;
	p2 =	seq.s32 @!p0 s5, $0x0  }
0x1f: {  	s9 =	smul.u32 $0xF7A, s1;
	s8 =	simm.s32 @!p0 $0x1BF5;
	p2 =	por !p2, p0  }
0x20: {  	[sflag:s8] =	ssyncset.s32 @!p0 $0xFFFFF086;
	s6 =	sadd.s32 @!p0 s3, s7;
	s7 =	simm.s32 @!p0 $0x108  }
0x21: {  	s3 =	sadd.s32 s3, s9;
	s6 =	sadd.s32 @!p0 $0x88, s6;
	s7 =	simm.s32 @p2 $0x1082  }
0x22: {  	[simem:s7], [sflag:s8] =	dma.local @!p0 [hbm:s6], $0xF7A  }
0x23: {  	s9 =	sor.u32 $0xD0000000, s2;
	s6 =	simm.s32 $0x108;
	_ =	swait.ge @!p0 [sflag:s8], $0x0  }
0x24: {  	s3 =	sadd.s32 $0x88, s3;
	s6 =	simm.s32 @!p1 $0x1082;
	[sflag:s4] =	ssyncset.s32 $0xFFFFF086  }
0x25: {  	[simem:s6], [sflag:s4] =	dma.local [hbm:s3], $0xF7A  }
0x26: {  	[smem:$0x3FA0] =	sst s1;
	(tag) =	ssettag s2;
	_ =	strace s9  }
0x27: {  	s1 =	sld [smem:$0x3FB0]  }
0x28: {  	s2 =	sld [smem:$0x3FB1]  }
0x29: {  	s4 =	sld [smem:$0x3FB3]  }
0x2a: {  	p0 =	seq.s32 s5, $0x0;
	s5 =	sld [smem:$0x3FB4]  }
0x2b: {  	s6 =	sld [smem:$0x3FB5]  }
0x2c: {  	s7 =	sld [smem:$0x3FB6]  }
0x2d: {  	s3 =	simm.s32 $0x108;
	s8 =	sld [smem:$0x3FB7]  }
0x2e: {  	s3 =	simm.s32 @!p0 $0x1082;
	s9 =	sld [smem:$0x3FB8]  }
0x2f: {  	lr =	sadd.s32 s0, s3;
	s0 =	sld [smem:$0x3FAF]  }
0x30: {  	s3 =	sld [smem:$0x3FB2]  }
0x31: {  	[smem:$0x3FBB] =	sst s10  }
0x32: {  	s10 =	sld [smem:$0x3FB9];
	_ =	sdelay $0x3  }
0x33: {  	p0 =	seq.s32 s10, $0x1;
	s10 =	sld [smem:$0x3FBB];
	_ =	sdelay $0x3  }
0x34: {  	[smem:$0x3FBB] =	sst s10  }
0x35: {  	s10 =	sld [smem:$0x3FBA];
	_ =	sdelay $0x3  }
0x36: {  	p1 =	seq.s32 s10, $0x1;
	s10 =	sld [smem:$0x3FBB];
	_ =	sdelay $0x3  }
0x37: {  	[smem:$0x3FBB] =	sst s10  }
0x38: {  	s10 =	sld [smem:$0x3FBC]  }
0x39: {  	_ = 	snop;
	(pc) =	sbr.ind lr, $3  }
0x3a: {  	_ = 	snop  }
0x3b: {  	_ = 	snop  }
0x3c: {  	p2 =	seq.s32 s10, $0x1;
	s10 =	sld [smem:$0x3FBB]  }
0x3d: {  	_ =	shalt  }
0x3e: {  	_ =	shalt  }
0x3f: {  	_ =	shalt  }
0x40: {  	_ =	shalt  }
0x41: {  	_ =	shalt  }
0x42: {  	_ =	shalt  }
0x43: {  	_ =	shalt  }
0x44: {  	_ =	shalt  }
0x45: {  	_ =	shalt  }
0x46: {  	_ =	shalt  }
0x47: {  	_ =	shalt  }
0x48: {  	_ =	shalt  }
0x49: {  	_ =	shalt  }
0x4a: {  	_ =	shalt  }
0x4b: {  	_ =	shalt  }
0x4c: {  	_ =	shalt  }
0x4d: {  	_ =	shalt  }
0x4e: {  	_ =	shalt  }
0x4f: {  	_ =	shalt  }
0x50: {  	_ =	shalt  }
0x51: {  	_ =	shalt  }
0x52: {  	_ =	shalt  }
0x53: {  	_ =	shalt  }
0x54: {  	_ =	shalt  }
0x55: {  	_ =	shalt  }
0x56: {  	_ =	shalt  }
0x57: {  	_ =	shalt  }
0x58: {  	_ =	shalt  }
0x59: {  	_ =	shalt  }
0x5a: {  	_ =	shalt  }
0x5b: {  	_ =	shalt  }
0x5c: {  	_ =	shalt  }
0x5d: {  	_ =	shalt  }
0x5e: {  	_ =	shalt  }
0x5f: {  	_ =	shalt  }
0x60: {  	_ =	shalt  }
0x61: {  	_ =	shalt  }
0x62: {  	_ =	shalt  }
0x63: {  	_ =	shalt  }
0x64: {  	_ =	shalt  }
0x65: {  	_ =	shalt  }
0x66: {  	_ =	shalt  }
0x67: {  	_ =	shalt  }
0x68: {  	_ =	shalt  }
0x69: {  	_ =	shalt  }
0x6a: {  	_ =	shalt  }
0x6b: {  	_ =	shalt  }
0x6c: {  	_ =	shalt  }
0x6d: {  	_ =	shalt  }
0x6e: {  	_ =	shalt  }
0x6f: {  	_ =	shalt  }
0x70: {  	_ =	shalt  }
0x71: {  	_ =	shalt  }
0x72: {  	_ =	shalt  }
0x73: {  	_ =	shalt  }
0x74: {  	_ =	shalt  }
0x75: {  	_ =	shalt  }
0x76: {  	_ =	shalt  }
0x77: {  	_ =	shalt  }
0x78: {  	_ =	shalt  }
0x79: {  	_ =	shalt  }
0x7a: {  	_ =	shalt  }
0x7b: {  	_ =	shalt  }
0x7c: {  	_ =	shalt  }
0x7d: {  	_ =	shalt  }
0x7e: {  	_ =	shalt  }
0x7f: {  	_ =	shalt  }
0x80: {  	_ =	shalt  }
0x81: {  	_ =	shalt  }
0x82: {  	_ =	shalt  }
0x83: {  	_ =	shalt  }
0x84: {  	_ =	shalt  }
0x85: {  	_ =	shalt  }
0x86: {  	_ =	shalt  }
0x87: {  	_ =	shalt  }
.Lfunc_end0:
.L_simem_size_0:
called_computation_lowered:
.L_overlay_start_0:
0x88: {  	s2 =	sld [smem:$0x3FD9]  }
0x89: {  	s3 =	sld [smem:$0x3FFE];
	_ =	sdelay $0x1  }
0x8a: {  	s1 =	srdreg.scid  }
0x8b: {  	s0 =	sand.u32 $0x1, s1  }
0x8c: {  	s16 =	sshll.u32 s0, $0xA;
	s2 =	sadd.s32 s3, s2  }
0x8d: {  	s2 =	sadd.s32 s2, s16  }
0x8e: {  	[smem:$0x3FC7] =	sst s2  }
0x8f: {  	_ = 	snop  }
0x90: {  	(tm) =	ssettm $0x1  }
0x91: {  	s17 =	sld [smem:$0x3FFB];
	_ =	sdelay $0x3  }
0x92: {  	_ =	strace s17  }
0x93: {  	s2 =	sld [smem:$0x3FFC];
	_ =	sdelay $0x3  }
0x94: {  	_ =	strace s2  }
0x95: {  	s2 =	sld [smem:$0x3FFD];
	_ =	sdelay $0x3  }
0x96: {  	_ =	strace s2  }
0x97: {  	_ =	strace $0x8FFFFFFF  }
0x98: {  	s18 =	sld [smem:$0x3FDB];
	_ =	sdelay $0x1  }
0x99: {  	s19 =	simm.s32 $_scs_section_size  }
0x9a: {  	s4 =	simm.s32 $_size__tile_overlayer_lowered;
	s5 =	simm.s32 $_tile_overlayer_lowered  }
0x9b: {  	s22 =	simm.s32 $0x1BFF;
	s21 =	sshll.u32 s5, $0x1;
	s2 =	sadd.s32 s19, s18  }
0x9c: {  	s6 =	simm.s32 $0x0;
	s20 =	sshll.u32 s4, $0x1;
	s4 =	sadd.s32 s21, s2  }
0x9d: {  	[timem:s6], [sflag:s22] =	dma.local [hbm:s4], s20  }
0x9e: {  	_ =	swait.ge [sflag:s22], s20  }
0x9f: {  	s3 =	ssub.s32 $0x0, s20;
	[sflag:s22] =	ssyncset.done $0x0  }
0xa0: {  	[sflag:s22] =	ssyncadd.s32 s3;
	_ =	sdelay $0x1  }
0xa1: {  	s23 =	simm.s32 $0x1B8B  }
0xa2: {  	_ =	swait.ge [sflag:s23], $0x1  }
0xa3: {  	[sflag:s23] =	ssyncset.done $0x0  }
0xa4: {  	s25 =	simm.s32 $0x1B8E;
	s24 =	sld [smem:$0x3FFE];
	[sflag:s23] =	ssyncadd.s32 $0xFFFFFFFF  }
0xa5: {  	s26 =	simm.s32 $execute0_lowered;
	[smem:$0x3FD2] =	sst s25  }
0xa6: {  	s4 =	sshll.u32 s26, $0x1;
	_ =	strace $0x80000046;
	[dreg:$0x1] =	wrdreg $0xFFFFFFFF  }
0xa7: {  	s28 =	simm.s32 $_size_execute0_lowered;
	s2 =	sadd.s32 s2, s4;
	[dreg:$0x0] =	wrdreg $0x0  }
0xa8: {  	s4 =	sshll.u32 s28, $0x1;
	[dreg:$0x2] =	wrdreg s2  }
0xa9: {  	[dreg:$0x3] =	wrdreg s4  }
0xaa: {  	[dreg:$0x4] =	wrdreg $0xC0  }
0xab: {  	_ =	task [dreg:s6], $0x5FFFF  }
0xac: {  	[dreg:$0x1] =	wrdreg $0xFFFFFFFF  }
0xad: {  	[dreg:$0x0] =	wrdreg $0x60  }
0xae: {  	[dreg:$0x2] =	wrdreg s24  }
0xaf: {  	[dreg:$0x3] =	wrdreg $0x9  }
0xb0: {  	_ =	task.clear_ibuf [dreg:s6], $0x4FFFF;
	_ =	strace $0x90000046  }
0xb1: {  	s29 =	simm.s32 $0x9;
	_ =	strace $0x80000048  }
0xb2: {  	_ =	swait.ge [sflag:s29], $0x1  }
0xb3: {  	[sflag:s29] =	ssyncadd.s32 $0xFFFFFFFF  }
0xb4: {  	_ =	strace $0x90000048  }
0xb5: {  	_ =	sfence  }
0xb6: {  	s30 =	sld [smem:$0x0];
	_ =	sdelay $0x2  }
0xb7: {  	s31 =	sshll.u32 s1, $0xD;
	s1 =	sshrl.u32 s1, $0x2  }
0xb8: {  	s3 =	sand.u32 $0x4000, s31;
	s1 =	sadd.s32 s1, s30  }
0xb9: {  	s0 =	sor.u32 s3, s0;
	s1 =	sshll.u32 s1, $0x11  }
0xba: {  	s0 =	sor.u32 s1, s0  }
0xbb: {  	s0 =	sadd.s32 $0x8F2B, s0  }
0xbc: {  	[sflag:s0] =	ssyncadd.remote.s32 $0x1  }
0xbd: {  	_ =	sfence.sel $0xFFFF  }
0xbe: {  	[dreg:$0x0] =	wrdreg $0xFFFFFFFF;
	(pc) =	sbr.abs _section_cstart, $3  }
0xbf: {  	[dreg:$0x1] =	wrdreg $0xFFFFFFFF  }
0xc0: {  	_ =	task.clear_ibuf [dreg:s6], $0x2FFFF;
	_ =	strace $0x9FFFFFFF  }
0xc1: {  	(tm) =	ssettm $0x7FFFFFFF  }
tec
execute0_lowered:
.L_overlay_start_1:
0x0: {  	(tag) =	ssettag $0x1  }
0x1: {  	s0 =	rddreg [dreg:$0x0]  }
0x2: {  	s10 =	rddreg [dreg:$0x1];
	s1 =	srdreg.scid;
	s2 =	simm.s32 $0x0  }
0x3: {  	s3 =	stileid.u32;
	s29 =	simm.s32 $0x12000;
	p0 =	por $0x0, $0x0  }
0x4: {  	s28 =	simm.s32 $0x7;
	s1 =	sand.u32 $0x1, s1;
	[smem:$0x7FF] =	sst s2  }
0x5: {  	s3 =	sshll.u32 s3, $0xD;
	s5 =	sadd.s32 $0x400, s0;
	s4 =	sshll.u32 s1, $0xC  }
0x6: {  	s0 =	sadd.s32 $0x80400, s0;
	s1 =	ssub.s32 $0x2, s1;
	s3 =	sor.u32 s4, s3  }
0x7: {  	_ =	strace $0x80000047;
	s9 =	sshrl.u32 s1, $0x1;
	s30 =	sadd.s32 s5, s3  }
0x8: {  	s1 =	ssub.s32 s1, s9;
	s6 =	sor.u32 $0x400, s3;
	s7 =	sor.u32 $0x800, s3  }
0x9: {  	s8 =	sor.u32 $0xC00, s3;
	s23 =	sadd.s32 s0, s3;
	s3 =	simm.s32 $0x1  }
0xa: {  	s9 =	simm.s32 $0x5;
	s11 =	sadd.s32 $0x20000, s30;
	s12 =	sadd.s32 $0x40000, s30  }
0xb: {  	s31 =	sadd.s32 s5, s6;
	s13 =	sadd.s32 $0x60000, s30;
	[dreg:$0x2] =	wrdreg s11  }
0xc: {  	s26 =	sadd.s32 s5, s7;
	s25 =	sadd.s32 s0, s6;
	[dreg:$0x3] =	wrdreg s12  }
0xd: {  	s21 =	sadd.s32 s0, s7;
	[dreg:$0x4] =	wrdreg s13;
	s14 =	sadd.s32 $0x20000, s31  }
0xe: {  	s1 =	smax.u32 s1, $0x1;
	s15 =	sadd.s32 $0x40000, s31;
	[dreg:$0x5] =	wrdreg s14  }
0xf: {  	s6 =	simm.s32 $0x1C000;
	s16 =	sadd.s32 $0x60000, s31;
	[dreg:$0x6] =	wrdreg s15  }
0x10: {  	s7 =	simm.s32 $0x8;
	s17 =	sadd.s32 $0x20000, s26;
	[dreg:$0x7] =	wrdreg s16  }
0x11: {  	s12 =	sadd.s32 s5, s8;
	s18 =	sadd.s32 $0x40000, s26;
	[dreg:$0x8] =	wrdreg s17  }
0x12: {  	s19 =	sadd.s32 $0x60000, s26;
	s13 =	simm.s32 $0x14000;
	[dreg:$0x9] =	wrdreg s18  }
0x13: {  	s11 =	simm.s32 $0x6000;
	p1 =	sne.s32 s1, $0x1;
	[dreg:$0xa] =	wrdreg s19  }
0x14: {  	s20 =	sadd.s32 $0x20000, s12;
	s19 =	sadd.s32 s0, s8;
	s22 =	sadd.s32 $0x40000, s12  }
.Ltmp0:
0x15: {  	s24 =	sadd.s32 $0x60000, s12;
	s0 =	simm.s32 $0xA000;
	(pc) =	sbr.rel @!p1 .LBB2_5-.Ltmp0, $4  }
0x16: {  	s16 =	simm.s32 $0x1A000;
	s15 =	simm.s32 $0x4000;
	[dreg:$0xb] =	wrdreg s20  }
0x17: {  	s14 =	simm.s32 $0xC000;
	s18 =	simm.s32 $0xE000;
	[dreg:$0xc] =	wrdreg s22  }
0x18: {  	s8 =	simm.s32 $0x6;
	[dreg:$0xd] =	wrdreg s24;
	s20 =	simm.s32 $0x16000  }
0x19: {  	s22 =	sadd.s32 $0xFFFFFFFF, s1;
	s1 =	simm.s32 $0x2000;
	s24 =	simm.s32 $0x1E000  }
0x1a: {  	[tilespmem:s2], [sflag:$0x1] =	stream.linear.gather [hbm4b:s30+s2], $0x2000, $0x38;
	v63 =	vld [tilespmem:$0x0]  }
0x1b: {  	s4 =	rddreg [dreg:$0x2];
	s9 =	simm.s32 $0x8000  }
0x1c: {  	[tilespmem:s9], [sflag:$0x1] =	stream.linear.gather [hbm4b:s4+s2], $0x2000, $0x38;
	v63 =	vld [tilespmem:$0x0]  }
0x1d: {  	s5 =	rddreg [dreg:$0x3];
	s8 =	simm.s32 $0x10000  }
0x1e: {  	[tilespmem:s8], [sflag:$0x1] =	stream.linear.gather [hbm4b:s5+s2], $0x2000, $0x38;
	v63 =	vld [tilespmem:$0x0]  }
0x1f: {  	s17 =	rddreg [dreg:$0x4];
	s7 =	simm.s32 $0x18000  }
0x20: {  	[tilespmem:s7], [sflag:$0x1] =	stream.linear.gather [hbm4b:s17+s2], $0x2000, $0x38;
	v63 =	vld [tilespmem:$0x0]  }
0x21: {  	_ = 	snop  }
0x22: {  	[tilespmem:s1], [sflag:$0x2] =	stream.linear.gather [hbm4b:s31+s2], $0x2000, $0x38;
	v63 =	vld [tilespmem:$0x0]  }
0x23: {  	s5 =	rddreg [dreg:$0x5]  }
0x24: {  	[tilespmem:s0], [sflag:$0x2] =	stream.linear.gather [hbm4b:s5+s2], $0x2000, $0x38;
	v63 =	vld [tilespmem:$0x0]  }
0x25: {  	s10 =	rddreg [dreg:$0x6]  }
0x26: {  	[tilespmem:s29], [sflag:$0x2] =	stream.linear.gather [hbm4b:s10+s2], $0x2000, $0x38;
	v63 =	vld [tilespmem:$0x0]  }
0x27: {  	s17 =	rddreg [dreg:$0x7]  }
0x28: {  	[tilespmem:s16], [sflag:$0x2] =	stream.linear.gather [hbm4b:s17+s2], $0x2000, $0x38;
	v63 =	vld [tilespmem:$0x0]  }
0x29: {  	_ = 	snop  }
0x2a: {  	[tilespmem:s15], [sflag:$0x3] =	stream.linear.gather [hbm4b:s26+s2], $0x2000, $0x38;
	v63 =	vld [tilespmem:$0x0]  }
0x2b: {  	s5 =	rddreg [dreg:$0x8]  }
0x2c: {  	[tilespmem:s14], [sflag:$0x3] =	stream.linear.gather [hbm4b:s5+s2], $0x2000, $0x38;
	v63 =	vld [tilespmem:$0x0]  }
0x2d: {  	s10 =	rddreg [dreg:$0x9]  }
0x2e: {  	[tilespmem:s13], [sflag:$0x3] =	stream.linear.gather [hbm4b:s10+s2], $0x2000, $0x38;
	v63 =	vld [tilespmem:$0x0]  }
0x2f: {  	s17 =	rddreg [dreg:$0xa]  }
0x30: {  	[tilespmem:s6], [sflag:$0x3] =	stream.linear.gather [hbm4b:s17+s2], $0x2000, $0x38;
	v63 =	vld [tilespmem:$0x0]  }
0x31: {  	_ = 	snop  }
0x32: {  	[tilespmem:s11], [sflag:$0x4] =	stream.linear.gather [hbm4b:s12+s2], $0x2000, $0x38;
	v63 =	vld [tilespmem:$0x0]  }
0x33: {  	s5 =	rddreg [dreg:$0xb]  }
0x34: {  	[tilespmem:s18], [sflag:$0x4] =	stream.linear.gather [hbm4b:s5+s2], $0x2000, $0x38;
	v63 =	vld [tilespmem:$0x0]  }
0x35: {  	s10 =	rddreg [dreg:$0xc]  }
0x36: {  	[tilespmem:s20], [sflag:$0x4] =	stream.linear.gather [hbm4b:s10+s2], $0x2000, $0x38;
	v63 =	vld [tilespmem:$0x0]  }
0x37: {  	s17 =	rddreg [dreg:$0xd]  }
0x38: {  	[tilespmem:s24], [sflag:$0x4] =	stream.linear.gather [hbm4b:s17+s2], $0x2000, $0x38;
	v63 =	vld [tilespmem:$0x0]  }
0x39: {  	_ =	swait.ge [sflag:s3], $0x8000  }
0x3a: {  	[sflag:s3] =	ssyncset.done $0x0  }
0x3b: {  	s5 =	sadd.s32 $0x20000, s23;
	[sflag:s3] =	ssyncadd.s32 $0xFFFF8000  }
0x3c: {  	[hbm4b:s23+s2] =	stream.linear.scatter [tilespmem:s2], [sflag:$0x5], $0x2000, $0x38;
	v63 =	vld [tilespmem:$0x0]  }
0x3d: {  	s10 =	sadd.s32 $0x40000, s23;
	[dreg:$0xe] =	wrdreg s5  }
0x3e: {  	[hbm4b:s5+s2] =	stream.linear.scatter [tilespmem:s9], [sflag:$0x5], $0x2000, $0x38;
	v63 =	vld [tilespmem:$0x0]  }
0x3f: {  	s17 =	sadd.s32 $0x60000, s23;
	[dreg:$0x10] =	wrdreg s10  }
0x40: {  	[hbm4b:s10+s2] =	stream.linear.scatter [tilespmem:s8], [sflag:$0x5], $0x2000, $0x38;
	v63 =	vld [tilespmem:$0x0]  }
0x41: {  	[dreg:$0x11] =	wrdreg s17;
	s3 =	simm.s32 $0x2  }
0x42: {  	[hbm4b:s17+s2] =	stream.linear.scatter [tilespmem:s7], [sflag:$0x5], $0x2000, $0x38;
	v63 =	vld [tilespmem:$0x0]  }
0x43: {  	_ =	swait.ge [sflag:s3], $0x8000  }
0x44: {  	s7 =	sadd.s32 $0x20000, s25;
	[dreg:$0xf] =	wrdreg s26;
	[sflag:s3] =	ssyncset.done $0x0  }
0x45: {  	s8 =	sadd.s32 $0x40000, s25;
	[dreg:$0x13] =	wrdreg s7;
	[sflag:s3] =	ssyncadd.s32 $0xFFFF8000  }
0x46: {  	[hbm4b:s25+s2] =	stream.linear.scatter [tilespmem:s1], [sflag:$0x6], $0x2000, $0x38;
	v63 =	vld [tilespmem:$0x0]  }
0x47: {  	[dreg:$0x14] =	wrdreg s8  }
0x48: {  	[hbm4b:s7+s2] =	stream.linear.scatter [tilespmem:s0], [sflag:$0x6], $0x2000, $0x38;
	v63 =	vld [tilespmem:$0x0]  }
0x49: {  	s9 =	sadd.s32 $0x60000, s25;
	[dreg:$0x12] =	wrdreg s12  }
0x4a: {  	[hbm4b:s8+s2] =	stream.linear.scatter [tilespmem:s29], [sflag:$0x6], $0x2000, $0x38;
	v63 =	vld [tilespmem:$0x0]  }
0x4b: {  	s10 =	simm.s32 $0x3;
	[dreg:$0x15] =	wrdreg s9  }
0x4c: {  	[hbm4b:s9+s2] =	stream.linear.scatter [tilespmem:s16], [sflag:$0x6], $0x2000, $0x38;
	v63 =	vld [tilespmem:$0x0]  }
0x4d: {  	_ =	swait.ge [sflag:s10], $0x8000  }
0x4e: {  	[sflag:s10] =	ssyncset.done $0x0  }
0x4f: {  	[sflag:s10] =	ssyncadd.s32 $0xFFFF8000  }
0x50: {  	[hbm4b:s21+s2] =	stream.linear.scatter [tilespmem:s15], [sflag:$0x7], $0x2000, $0x38;
	v63 =	vld [tilespmem:$0x0]  }
0x51: {  	s12 =	sadd.s32 $0x20000, s21  }
0x52: {  	[hbm4b:s12+s2] =	stream.linear.scatter [tilespmem:s14], [sflag:$0x7], $0x2000, $0x38;
	v63 =	vld [tilespmem:$0x0]  }
0x53: {  	[dreg:$0x18] =	wrdreg s12;
	s15 =	sadd.s32 $0x40000, s21  }
0x54: {  	[hbm4b:s15+s2] =	stream.linear.scatter [tilespmem:s13], [sflag:$0x7], $0x2000, $0x38;
	v63 =	vld [tilespmem:$0x0]  }
0x55: {  	s26 =	simm.s32 $0x4;
	s16 =	sadd.s32 $0x60000, s21;
	[dreg:$0x19] =	wrdreg s15  }
0x56: {  	[hbm4b:s16+s2] =	stream.linear.scatter [tilespmem:s6], [sflag:$0x7], $0x2000, $0x38;
	v63 =	vld [tilespmem:$0x0]  }
0x57: {  	_ =	swait.ge [sflag:s26], $0x8000  }
0x58: {  	[sflag:s26] =	ssyncset.done $0x0  }
0x59: {  	[sflag:s26] =	ssyncadd.s32 $0xFFFF8000  }
0x5a: {  	[hbm4b:s19+s2] =	stream.linear.scatter [tilespmem:s11], [sflag:$0x8], $0x2000, $0x38;
	v63 =	vld [tilespmem:$0x0]  }
0x5b: {  	s0 =	sadd.s32 $0x20000, s19  }
0x5c: {  	[hbm4b:s0+s2] =	stream.linear.scatter [tilespmem:s18], [sflag:$0x8], $0x2000, $0x38;
	v63 =	vld [tilespmem:$0x0]  }
0x5d: {  	[dreg:$0x16] =	wrdreg s31;
	s18 =	sadd.s32 $0x40000, s19  }
0x5e: {  	[hbm4b:s18+s2] =	stream.linear.scatter [tilespmem:s20], [sflag:$0x8], $0x2000, $0x38;
	v63 =	vld [tilespmem:$0x0]  }
0x5f: {  	s5 =	simm.s32 $0x5;
	[dreg:$0x17] =	wrdreg s30;
	s20 =	sadd.s32 $0x60000, s19  }
0x60: {  	[hbm4b:s20+s2] =	stream.linear.scatter [tilespmem:s24], [sflag:$0x8], $0x2000, $0x38;
	v63 =	vld [tilespmem:$0x0]  }
0x61: {  	_ =	swait.ge [sflag:s5], $0x8000  }
0x62: {  	[sflag:s5] =	ssyncset.done $0x0  }
0x63: {  	s4 =	simm.s32 $0x6;
	[sflag:s5] =	ssyncadd.s32 $0xFFFF8000  }
0x64: {  	_ =	swait.ge [sflag:s4], $0x8000  }
0x65: {  	[sflag:s4] =	ssyncset.done $0x0  }
0x66: {  	p1 =	sne.s32 s22, $0x1;
	s22 =	sadd.s32 $0xFFFFFFFF, s22;
	[sflag:s4] =	ssyncadd.s32 $0xFFFF8000  }
.Ltmp1:
0x67: {  	p0 =	por $0x1, $0x1;
	_ =	swait.ge [sflag:s28], $0x8000;
	(pc) =	sbr.rel @!p1 .LBB2_6-.Ltmp1, $4  }
0x68: {  	s29 =	simm.s32 $0x16000;
	s9 =	simm.s32 $0x8;
	[sflag:s28] =	ssyncset.done $0x0  }
0x69: {  	s17 =	smov.u32 s16;
	s10 =	simm.s32 $0x1;
	[sflag:s28] =	ssyncadd.s32 $0xFFFF8000  }
0x6a: {  	s12 =	simm.s32 $0xA000;
	s6 =	simm.s32 $0x1C000;
	_ =	swait.ge [sflag:s9], $0x8000  }
0x6b: {  	s30 =	simm.s32 $0xE000;
	s26 =	simm.s32 $0x12000;
	[sflag:s9] =	ssyncset.done $0x0  }
0x6c: {  	s31 =	smov.u32 s0;
	s15 =	simm.s32 $0x10000  }
0x6d: {  	s7 =	simm.s32 $0x18000;
	s16 =	simm.s32 $0x1A000;
	s13 =	simm.s32 $0x4000  }
0x6e: {  	s8 =	simm.s32 $0xC000;
	s11 =	simm.s32 $0x14000;
	s3 =	simm.s32 $0x6000  }
.LBB2_3:
0x6f: {  	s14 =	rddreg [dreg:$0x2]  }
0x70: {  	[sflag:s9] =	ssyncadd.s32 $0xFFFF8000;
	s0 =	rddreg [dreg:$0x17];
	s24 =	smov.u32 s23  }
0x71: {  	[tilespmem:s2], [sflag:$0x1] =	stream.linear.gather [hbm4b:s0+s2], $0x2000, $0x38;
	v63 =	vld [tilespmem:$0x0]  }
0x72: {  	s23 =	smov.u32 s25;
	s25 =	rddreg [dreg:$0x3];
	s0 =	simm.s32 $0x8000  }
0x73: {  	[tilespmem:s0], [sflag:$0x1] =	stream.linear.gather [hbm4b:s14+s2], $0x2000, $0x38;
	v63 =	vld [tilespmem:$0x0]  }
0x74: {  	s28 =	smov.u32 s21;
	s21 =	smov.u32 s19;
	s19 =	rddreg [dreg:$0x5]  }
0x75: {  	[tilespmem:s15], [sflag:$0x1] =	stream.linear.gather [hbm4b:s25+s2], $0x2000, $0x38;
	v63 =	vld [tilespmem:$0x0]  }
0x76: {  	s14 =	rddreg [dreg:$0x4]  }
0x77: {  	[tilespmem:s7], [sflag:$0x1] =	stream.linear.gather [hbm4b:s14+s2], $0x2000, $0x38;
	v63 =	vld [tilespmem:$0x0]  }
0x78: {  	s14 =	rddreg [dreg:$0x16]  }
0x79: {  	[tilespmem:s1], [sflag:$0x2] =	stream.linear.gather [hbm4b:s14+s2], $0x2000, $0x38;
	v63 =	vld [tilespmem:$0x0]  }
0x7a: {  	s25 =	rddreg [dreg:$0x6]  }
0x7b: {  	[tilespmem:s12], [sflag:$0x2] =	stream.linear.gather [hbm4b:s19+s2], $0x2000, $0x38;
	v63 =	vld [tilespmem:$0x0]  }
0x7c: {  	s14 =	rddreg [dreg:$0x7]  }
0x7d: {  	[tilespmem:s26], [sflag:$0x2] =	stream.linear.gather [hbm4b:s25+s2], $0x2000, $0x38;
	v63 =	vld [tilespmem:$0x0]  }
0x7e: {  	s19 =	rddreg [dreg:$0x8]  }
0x7f: {  	[tilespmem:s16], [sflag:$0x2] =	stream.linear.gather [hbm4b:s14+s2], $0x2000, $0x38;
	v63 =	vld [tilespmem:$0x0]  }
0x80: {  	s25 =	rddreg [dreg:$0xf]  }
0x81: {  	[tilespmem:s13], [sflag:$0x3] =	stream.linear.gather [hbm4b:s25+s2], $0x2000, $0x38;
	v63 =	vld [tilespmem:$0x0]  }
0x82: {  	s14 =	rddreg [dreg:$0xa]  }
0x83: {  	[tilespmem:s8], [sflag:$0x3] =	stream.linear.gather [hbm4b:s19+s2], $0x2000, $0x38;
	v63 =	vld [tilespmem:$0x0]  }
0x84: {  	s25 =	rddreg [dreg:$0x9]  }
0x85: {  	[tilespmem:s11], [sflag:$0x3] =	stream.linear.gather [hbm4b:s25+s2], $0x2000, $0x38;
	v63 =	vld [tilespmem:$0x0]  }
0x86: {  	s19 =	rddreg [dreg:$0xb]  }
0x87: {  	[tilespmem:s6], [sflag:$0x3] =	stream.linear.gather [hbm4b:s14+s2], $0x2000, $0x38;
	v63 =	vld [tilespmem:$0x0]  }
0x88: {  	s25 =	rddreg [dreg:$0x12]  }
0x89: {  	[tilespmem:s3], [sflag:$0x4] =	stream.linear.gather [hbm4b:s25+s2], $0x2000, $0x38;
	v63 =	vld [tilespmem:$0x0]  }
0x8a: {  	s14 =	rddreg [dreg:$0xd]  }
0x8b: {  	[tilespmem:s30], [sflag:$0x4] =	stream.linear.gather [hbm4b:s19+s2], $0x2000, $0x38;
	v63 =	vld [tilespmem:$0x0]  }
0x8c: {  	s25 =	rddreg [dreg:$0xc]  }
0x8d: {  	[tilespmem:s29], [sflag:$0x4] =	stream.linear.gather [hbm4b:s25+s2], $0x2000, $0x38;
	v63 =	vld [tilespmem:$0x0]  }
0x8e: {  	s25 =	smov.u32 s23;
	s23 =	smov.u32 s24;
	s24 =	simm.s32 $0x1E000  }
0x8f: {  	[tilespmem:s24], [sflag:$0x4] =	stream.linear.gather [hbm4b:s14+s2], $0x2000, $0x38;
	v63 =	vld [tilespmem:$0x0]  }
0x90: {  	_ =	swait.ge [sflag:s10], $0x8000  }
0x91: {  	[sflag:s10] =	ssyncset.done $0x0  }
0x92: {  	[sflag:s10] =	ssyncadd.s32 $0xFFFF8000  }
0x93: {  	[hbm4b:s23+s2] =	stream.linear.scatter [tilespmem:s2], [sflag:$0x5], $0x2000, $0x38;
	v63 =	vld [tilespmem:$0x0]  }
0x94: {  	s14 =	rddreg [dreg:$0xe]  }
0x95: {  	[hbm4b:s14+s2] =	stream.linear.scatter [tilespmem:s0], [sflag:$0x5], $0x2000, $0x38;
	v63 =	vld [tilespmem:$0x0]  }
0x96: {  	s14 =	rddreg [dreg:$0x10]  }
0x97: {  	[hbm4b:s14+s2] =	stream.linear.scatter [tilespmem:s15], [sflag:$0x5], $0x2000, $0x38;
	v63 =	vld [tilespmem:$0x0]  }
0x98: {  	s14 =	rddreg [dreg:$0x11]  }
0x99: {  	[hbm4b:s14+s2] =	stream.linear.scatter [tilespmem:s7], [sflag:$0x5], $0x2000, $0x38;
	v63 =	vld [tilespmem:$0x0]  }
0x9a: {  	s14 =	simm.s32 $0x2  }
0x9b: {  	_ =	swait.ge [sflag:s14], $0x8000  }
0x9c: {  	[sflag:s14] =	ssyncset.done $0x0  }
0x9d: {  	[sflag:s14] =	ssyncadd.s32 $0xFFFF8000  }
0x9e: {  	[hbm4b:s25+s2] =	stream.linear.scatter [tilespmem:s1], [sflag:$0x6], $0x2000, $0x38;
	v63 =	vld [tilespmem:$0x0]  }
0x9f: {  	s14 =	rddreg [dreg:$0x13]  }
0xa0: {  	[hbm4b:s14+s2] =	stream.linear.scatter [tilespmem:s12], [sflag:$0x6], $0x2000, $0x38;
	v63 =	vld [tilespmem:$0x0]  }
0xa1: {  	s1 =	rddreg [dreg:$0x14]  }
0xa2: {  	[hbm4b:s1+s2] =	stream.linear.scatter [tilespmem:s26], [sflag:$0x6], $0x2000, $0x38;
	v63 =	vld [tilespmem:$0x0]  }
0xa3: {  	s14 =	rddreg [dreg:$0x15];
	s1 =	simm.s32 $0x3  }
0xa4: {  	[hbm4b:s14+s2] =	stream.linear.scatter [tilespmem:s16], [sflag:$0x6], $0x2000, $0x38;
	v63 =	vld [tilespmem:$0x0]  }
0xa5: {  	_ =	swait.ge [sflag:s1], $0x8000  }
0xa6: {  	[sflag:s1] =	ssyncset.done $0x0  }
0xa7: {  	s19 =	smov.u32 s21;
	s21 =	smov.u32 s28;
	[sflag:s1] =	ssyncadd.s32 $0xFFFF8000  }
0xa8: {  	[hbm4b:s21+s2] =	stream.linear.scatter [tilespmem:s13], [sflag:$0x7], $0x2000, $0x38;
	v63 =	vld [tilespmem:$0x0]  }
0xa9: {  	s14 =	rddreg [dreg:$0x18]  }
0xaa: {  	[hbm4b:s14+s2] =	stream.linear.scatter [tilespmem:s8], [sflag:$0x7], $0x2000, $0x38;
	v63 =	vld [tilespmem:$0x0]  }
0xab: {  	s1 =	rddreg [dreg:$0x19]  }
0xac: {  	[hbm4b:s1+s2] =	stream.linear.scatter [tilespmem:s11], [sflag:$0x7], $0x2000, $0x38;
	v63 =	vld [tilespmem:$0x0]  }
0xad: {  	s14 =	simm.s32 $0x4  }
0xae: {  	[hbm4b:s17+s2] =	stream.linear.scatter [tilespmem:s6], [sflag:$0x7], $0x2000, $0x38;
	v63 =	vld [tilespmem:$0x0]  }
0xaf: {  	_ =	swait.ge [sflag:s14], $0x8000  }
0xb0: {  	[sflag:s14] =	ssyncset.done $0x0  }
0xb1: {  	[sflag:s14] =	ssyncadd.s32 $0xFFFF8000  }
0xb2: {  	[hbm4b:s19+s2] =	stream.linear.scatter [tilespmem:s3], [sflag:$0x8], $0x2000, $0x38;
	v63 =	vld [tilespmem:$0x0]  }
0xb3: {  	_ = 	snop  }
0xb4: {  	[hbm4b:s31+s2] =	stream.linear.scatter [tilespmem:s30], [sflag:$0x8], $0x2000, $0x38;
	v63 =	vld [tilespmem:$0x0]  }
0xb5: {  	_ = 	snop  }
0xb6: {  	[hbm4b:s18+s2] =	stream.linear.scatter [tilespmem:s29], [sflag:$0x8], $0x2000, $0x38;
	v63 =	vld [tilespmem:$0x0]  }
0xb7: {  	_ = 	snop  }
0xb8: {  	[hbm4b:s20+s2] =	stream.linear.scatter [tilespmem:s24], [sflag:$0x8], $0x2000, $0x38;
	v63 =	vld [tilespmem:$0x0]  }
0xb9: {  	_ =	swait.ge [sflag:s5], $0x8000  }
0xba: {  	[sflag:s5] =	ssyncset.done $0x0  }
0xbb: {  	[sflag:s5] =	ssyncadd.s32 $0xFFFF8000  }
0xbc: {  	_ =	swait.ge [sflag:s4], $0x8000  }
0xbd: {  	[sflag:s4] =	ssyncset.done $0x0  }
0xbe: {  	p1 =	sne.s32 s22, $0x1;
	s28 =	simm.s32 $0x7;
	[sflag:s4] =	ssyncadd.s32 $0xFFFF8000  }
.Ltmp2:
0xbf: {  	_ =	swait.ge [sflag:s28], $0x8000;
	(pc) =	sbr.rel @p1 .LBB2_3-.Ltmp2, $4  }
0xc0: {  	[sflag:s28] =	ssyncset.done $0x0  }
0xc1: {  	[sflag:s28] =	ssyncadd.s32 $0xFFFF8000  }
0xc2: {  	_ =	swait.ge [sflag:s9], $0x8000  }
0xc3: {  	s22 =	sadd.s32 $0xFFFFFFFF, s22;
	s1 =	simm.s32 $0x2000;
	[sflag:s9] =	ssyncset.done $0x0  }
0xc4: {  	s10 =	rddreg [dreg:$0x1]  }
0xc5: {  	s20 =	simm.s32 $0x16000;
	s18 =	simm.s32 $0xE000;
	s11 =	simm.s32 $0x6000  }
0xc6: {  	s6 =	simm.s32 $0x1C000;
	s7 =	simm.s32 $0x8;
	s13 =	simm.s32 $0x14000  }
0xc7: {  	s8 =	simm.s32 $0x6;
	s14 =	simm.s32 $0xC000;
	s12 =	rddreg [dreg:$0x12]  }
0xc8: {  	s9 =	simm.s32 $0x5;
	s15 =	simm.s32 $0x4000;
	s26 =	rddreg [dreg:$0xf]  }
0xc9: {  	s16 =	simm.s32 $0x1A000;
	s29 =	simm.s32 $0x12000;
	s30 =	rddreg [dreg:$0x17]  }
0xca: {  	s31 =	rddreg [dreg:$0x16];
	s0 =	simm.s32 $0xA000;
	s3 =	simm.s32 $0x1  }
.LBB2_5:
0xcb: {  	[sflag:s7] =	ssyncadd.s32 @p0 $0xFFFF8000  }
0xcc: {  	[tilespmem:s2], [sflag:$0x1] =	stream.linear.gather [hbm4b:s30+s2], $0x2000, $0x38;
	v63 =	vld [tilespmem:$0x0]  }
0xcd: {  	s4 =	rddreg [dreg:$0x2];
	s30 =	smov.u32 s10;
	s10 =	simm.s32 $0x8000  }
0xce: {  	[tilespmem:s10], [sflag:$0x1] =	stream.linear.gather [hbm4b:s4+s2], $0x2000, $0x38;
	v63 =	vld [tilespmem:$0x0]  }
0xcf: {  	s5 =	rddreg [dreg:$0x3];
	s22 =	simm.s32 $0x10000  }
0xd0: {  	[tilespmem:s22], [sflag:$0x1] =	stream.linear.gather [hbm4b:s5+s2], $0x2000, $0x38;
	v63 =	vld [tilespmem:$0x0]  }
0xd1: {  	s17 =	simm.s32 $0x18000;
	s4 =	rddreg [dreg:$0x4]  }
0xd2: {  	[tilespmem:s17], [sflag:$0x1] =	stream.linear.gather [hbm4b:s4+s2], $0x2000, $0x38;
	v63 =	vld [tilespmem:$0x0]  }
0xd3: {  	_ = 	snop  }
0xd4: {  	[tilespmem:s1], [sflag:$0x2] =	stream.linear.gather [hbm4b:s31+s2], $0x2000, $0x38;
	v63 =	vld [tilespmem:$0x0]  }
0xd5: {  	s4 =	rddreg [dreg:$0x5]  }
0xd6: {  	[tilespmem:s0], [sflag:$0x2] =	stream.linear.gather [hbm4b:s4+s2], $0x2000, $0x38;
	v63 =	vld [tilespmem:$0x0]  }
0xd7: {  	s5 =	rddreg [dreg:$0x6]  }
0xd8: {  	[tilespmem:s29], [sflag:$0x2] =	stream.linear.gather [hbm4b:s5+s2], $0x2000, $0x38;
	v63 =	vld [tilespmem:$0x0]  }
0xd9: {  	s31 =	rddreg [dreg:$0x7]  }
0xda: {  	[tilespmem:s16], [sflag:$0x2] =	stream.linear.gather [hbm4b:s31+s2], $0x2000, $0x38;
	v63 =	vld [tilespmem:$0x0]  }
0xdb: {  	_ = 	snop  }
0xdc: {  	[tilespmem:s15], [sflag:$0x3] =	stream.linear.gather [hbm4b:s26+s2], $0x2000, $0x38;
	v63 =	vld [tilespmem:$0x0]  }
0xdd: {  	s5 =	rddreg [dreg:$0x8]  }
0xde: {  	[tilespmem:s14], [sflag:$0x3] =	stream.linear.gather [hbm4b:s5+s2], $0x2000, $0x38;
	v63 =	vld [tilespmem:$0x0]  }
0xdf: {  	s26 =	rddreg [dreg:$0x9]  }
0xe0: {  	[tilespmem:s13], [sflag:$0x3] =	stream.linear.gather [hbm4b:s26+s2], $0x2000, $0x38;
	v63 =	vld [tilespmem:$0x0]  }
0xe1: {  	s31 =	rddreg [dreg:$0xa]  }
0xe2: {  	[tilespmem:s6], [sflag:$0x3] =	stream.linear.gather [hbm4b:s31+s2], $0x2000, $0x38;
	v63 =	vld [tilespmem:$0x0]  }
0xe3: {  	_ = 	snop  }
0xe4: {  	[tilespmem:s11], [sflag:$0x4] =	stream.linear.gather [hbm4b:s12+s2], $0x2000, $0x38;
	v63 =	vld [tilespmem:$0x0]  }
0xe5: {  	s5 =	rddreg [dreg:$0xb]  }
0xe6: {  	[tilespmem:s18], [sflag:$0x4] =	stream.linear.gather [hbm4b:s5+s2], $0x2000, $0x38;
	v63 =	vld [tilespmem:$0x0]  }
0xe7: {  	s26 =	rddreg [dreg:$0xc]  }
0xe8: {  	[tilespmem:s20], [sflag:$0x4] =	stream.linear.gather [hbm4b:s26+s2], $0x2000, $0x38;
	v63 =	vld [tilespmem:$0x0]  }
0xe9: {  	s31 =	rddreg [dreg:$0xd]  }
0xea: {  	[tilespmem:s24], [sflag:$0x4] =	stream.linear.gather [hbm4b:s31+s2], $0x2000, $0x38;
	v63 =	vld [tilespmem:$0x0]  }
0xeb: {  	_ =	swait.ge [sflag:s3], $0x8000  }
0xec: {  	[sflag:s3] =	ssyncset.done $0x0  }
0xed: {  	[sflag:s3] =	ssyncadd.s32 $0xFFFF8000  }
0xee: {  	[hbm4b:s23+s2] =	stream.linear.scatter [tilespmem:s2], [sflag:$0x5], $0x2000, $0x38;
	v63 =	vld [tilespmem:$0x0]  }
0xef: {  	s5 =	sadd.s32 $0x20000, s23  }
0xf0: {  	[hbm4b:s5+s2] =	stream.linear.scatter [tilespmem:s10], [sflag:$0x5], $0x2000, $0x38;
	v63 =	vld [tilespmem:$0x0]  }
0xf1: {  	s12 =	sadd.s32 $0x40000, s23  }
0xf2: {  	[hbm4b:s12+s2] =	stream.linear.scatter [tilespmem:s22], [sflag:$0x5], $0x2000, $0x38;
	v63 =	vld [tilespmem:$0x0]  }
0xf3: {  	s26 =	sadd.s32 $0x60000, s23;
	s31 =	simm.s32 $0x2  }
0xf4: {  	[hbm4b:s26+s2] =	stream.linear.scatter [tilespmem:s17], [sflag:$0x5], $0x2000, $0x38;
	v63 =	vld [tilespmem:$0x0]  }
0xf5: {  	_ =	swait.ge [sflag:s31], $0x8000  }
0xf6: {  	[sflag:s31] =	ssyncset.done $0x0  }
0xf7: {  	[sflag:s31] =	ssyncadd.s32 $0xFFFF8000  }
0xf8: {  	[hbm4b:s25+s2] =	stream.linear.scatter [tilespmem:s1], [sflag:$0x6], $0x2000, $0x38;
	v63 =	vld [tilespmem:$0x0]  }
0xf9: {  	s4 =	sadd.s32 $0x20000, s25  }
0xfa: {  	[hbm4b:s4+s2] =	stream.linear.scatter [tilespmem:s0], [sflag:$0x6], $0x2000, $0x38;
	v63 =	vld [tilespmem:$0x0]  }
0xfb: {  	s5 =	sadd.s32 $0x40000, s25  }
0xfc: {  	[hbm4b:s5+s2] =	stream.linear.scatter [tilespmem:s29], [sflag:$0x6], $0x2000, $0x38;
	v63 =	vld [tilespmem:$0x0]  }
0xfd: {  	s10 =	sadd.s32 $0x60000, s25;
	s12 =	simm.s32 $0x3  }
0xfe: {  	[hbm4b:s10+s2] =	stream.linear.scatter [tilespmem:s16], [sflag:$0x6], $0x2000, $0x38;
	v63 =	vld [tilespmem:$0x0]  }
0xff: {  	_ =	swait.ge [sflag:s12], $0x8000  }
0x100: {  	[sflag:s12] =	ssyncset.done $0x0  }
0x101: {  	[sflag:s12] =	ssyncadd.s32 $0xFFFF8000  }
0x102: {  	[hbm4b:s21+s2] =	stream.linear.scatter [tilespmem:s15], [sflag:$0x7], $0x2000, $0x38;
	v63 =	vld [tilespmem:$0x0]  }
0x103: {  	s16 =	sadd.s32 $0x20000, s21  }
0x104: {  	[hbm4b:s16+s2] =	stream.linear.scatter [tilespmem:s14], [sflag:$0x7], $0x2000, $0x38;
	v63 =	vld [tilespmem:$0x0]  }
0x105: {  	s17 =	sadd.s32 $0x40000, s21  }
0x106: {  	[hbm4b:s17+s2] =	stream.linear.scatter [tilespmem:s13], [sflag:$0x7], $0x2000, $0x38;
	v63 =	vld [tilespmem:$0x0]  }
0x107: {  	s23 =	simm.s32 $0x4;
	s22 =	sadd.s32 $0x60000, s21  }
0x108: {  	[hbm4b:s22+s2] =	stream.linear.scatter [tilespmem:s6], [sflag:$0x7], $0x2000, $0x38;
	v63 =	vld [tilespmem:$0x0]  }
0x109: {  	_ =	swait.ge [sflag:s23], $0x8000  }
0x10a: {  	[sflag:s23] =	ssyncset.done $0x0  }
0x10b: {  	[sflag:s23] =	ssyncadd.s32 $0xFFFF8000  }
0x10c: {  	[hbm4b:s19+s2] =	stream.linear.scatter [tilespmem:s11], [sflag:$0x8], $0x2000, $0x38;
	v63 =	vld [tilespmem:$0x0]  }
0x10d: {  	s25 =	sadd.s32 $0x20000, s19  }
0x10e: {  	[hbm4b:s25+s2] =	stream.linear.scatter [tilespmem:s18], [sflag:$0x8], $0x2000, $0x38;
	v63 =	vld [tilespmem:$0x0]  }
0x10f: {  	s26 =	sadd.s32 $0x40000, s19  }
0x110: {  	[hbm4b:s26+s2] =	stream.linear.scatter [tilespmem:s20], [sflag:$0x8], $0x2000, $0x38;
	v63 =	vld [tilespmem:$0x0]  }
0x111: {  	s29 =	sadd.s32 $0x60000, s19  }
0x112: {  	[hbm4b:s29+s2] =	stream.linear.scatter [tilespmem:s24], [sflag:$0x8], $0x2000, $0x38;
	v63 =	vld [tilespmem:$0x0]  }
0x113: {  	_ =	swait.ge [sflag:s9], $0x8000  }
0x114: {  	[sflag:s9] =	ssyncset.done $0x0  }
0x115: {  	[sflag:s9] =	ssyncadd.s32 $0xFFFF8000  }
0x116: {  	_ =	swait.ge [sflag:s8], $0x8000  }
0x117: {  	[sflag:s8] =	ssyncset.done $0x0  }
0x118: {  	[sflag:s8] =	ssyncadd.s32 $0xFFFF8000  }
0x119: {  	_ =	swait.ge [sflag:s28], $0x8000  }
0x11a: {  	[sflag:s28] =	ssyncset.done $0x0  }
0x11b: {  	[sflag:s28] =	ssyncadd.s32 $0xFFFF8000  }
0x11c: {  	_ =	swait.ge [sflag:s7], $0x8000  }
0x11d: {  	[sflag:s7] =	ssyncset.done $0x0  }
0x11e: {  	[sflag:s7] =	ssyncadd.s32 $0xFFFF8000  }
0x11f: {  	_ =	sfence.sel $0x180000  }
0x120: {  	s31 =	stileid.u32;
	[bflag:$0x0] =	sbarrier.arrive $0xFFFF  }
0x121: {  	p0 =	sne.s32 s31, $0x0;
	_ =	strace $0x90000047  }
0x122: {  	s0 =	sadd.s32 @!p0 $0x100000, s30;
	[bflag:$0x2] =	sbarrier.arrive $0xFFFF  }
0x123: {  	[sflag:s0] =	ssyncadd.tile.s32 @!p0 $0x1;
	_ =	shalt  }
.LBB2_6:
0x124: {  	s10 =	rddreg [dreg:$0x1];
	s20 =	simm.s32 $0x16000  }
0x125: {  	s18 =	simm.s32 $0xE000;
	s11 =	simm.s32 $0x6000;
	s6 =	simm.s32 $0x1C000  }
.Ltmp3:
0x126: {  	s7 =	simm.s32 $0x8;
	s13 =	simm.s32 $0x14000;
	(pc) =	sbr.rel .LBB2_5-.Ltmp3, $4  }
0x127: {  	s8 =	simm.s32 $0x6;
	s14 =	simm.s32 $0xC000;
	s12 =	rddreg [dreg:$0x12]  }
0x128: {  	s9 =	simm.s32 $0x5;
	s15 =	simm.s32 $0x4000;
	s26 =	rddreg [dreg:$0xf]  }
0x129: {  	s16 =	simm.s32 $0x1A000;
	s29 =	simm.s32 $0x12000;
	s30 =	rddreg [dreg:$0x17]  }
0x12a: {  	s31 =	rddreg [dreg:$0x16];
	s0 =	simm.s32 $0xA000;
	s3 =	simm.s32 $0x1  }
.Lfunc_end2:
_tile_overlayer_lowered:
.L_overlay_start_2:
0x12b: {  	(tag) =	ssettag $0x2  }
0x12c: {  	s0 =	rddreg [dreg:$0x0];
	s2 =	stileid.u32  }
0x12d: {  	s1 =	rddreg [dreg:$0x1];
	p0 =	sne.s32 s2, $0x0  }
0x12e: {  	s3 =	rddreg [dreg:$0x2];
	[bflag:$0x3] =	sbarrier.arrive $0xFFFF;
	s2 =	simm.s32 @!p0 $0x1C09  }
0x12f: {  	[timem:s3], [sflag:s2] =	dma.local @!p0 [hbm:s0], s1  }
0x130: {  	s0 =	simm.s32 @!p0 $0x9  }
0x131: {  	_ =	swait.ge @!p0 [sflag:s0], s1  }
0x132: {  	s1 =	ssub.s32 @!p0 $0x0, s1;
	[sflag:s0] =	ssyncset.done @!p0 $0x0  }
0x133: {  	[sflag:s0] =	ssyncadd.s32 @!p0 s1  }
0x134: {  	[bflag:$0x3] =	sbarrier.arrive $0xFFFF  }
0x135: {  	_ =	shalt  }

</sc_bundles>
